<compile_context>
chip_gen: v7x
topology: tpu7x:2x2x1
jax: 0.10.2.dev20260603
libtpu: 0.0.44.dev20260713+nightly
codegen_flags: <defaults>
</compile_context>

<pallas_src>
import functools

import jax
import jax.numpy as jnp
from jax import lax
from jax.experimental import pallas as pl
from jax.experimental.pallas import tpu as pltpu
from jax.experimental.pallas import tpu_sc as plsc

_START = 101
_END = 102
_SEP = 102
_HALF = 2048
_LANES = 16
_CHUNKS = _HALF // _LANES
_PAD = 128

_MESH = plsc.VectorSubcoreMesh(
    core_axis_name="c", subcore_axis_name="s", num_cores=1
)


@functools.partial(
    pl.kernel,
    mesh=_MESH,
    out_type=[
        jax.ShapeDtypeStruct((16, 2 * _HALF), jnp.int32),
        jax.ShapeDtypeStruct((16, 2 * _HALF), jnp.int32),
    ],
    scratch_types=[
        pltpu.VMEM((_HALF + _PAD,), jnp.int32),
        pltpu.VMEM((_HALF + _PAD,), jnp.int32),
        pltpu.VMEM((_HALF,), jnp.int32),
        pltpu.VMEM((_HALF,), jnp.int32),
        pltpu.VMEM((_HALF,), jnp.int32),
        pltpu.VMEM((_HALF,), jnp.int32),
        pltpu.SemaphoreType.DMA,
        pltpu.SemaphoreType.DMA,
    ],
    compiler_params=pltpu.CompilerParams(
        needs_layout_passes=False, skip_device_barrier=True
    ),
)
def _pack_sc(
    seg1, seg2, tok_out, sid_out,
    src0_v, src1_v, tok0_v, tok1_v, sid0_v, sid1_v, sem_in, sem_out,
):
    row = lax.axis_index("s")
    lane = lax.iota(jnp.int32, _LANES)

    in0 = pltpu.async_copy(seg1.at[row], src0_v.at[pl.ds(_PAD, _HALF)], sem_in)
    in1 = pltpu.async_copy(seg2.at[row], src1_v.at[pl.ds(_PAD, _HALF)], sem_in)

    zero_fill = jnp.broadcast_to(jnp.int32(0), (_LANES,))
    one_fill = jnp.broadcast_to(jnp.int32(1), (_LANES,))

    @plsc.parallel_loop(0, _CHUNKS, unroll=8)
    def _(j):
        sid0_v[pl.ds(j * _LANES, _LANES)] = zero_fill

    cp_sid0 = pltpu.async_copy(sid0_v, sid_out.at[row, pl.ds(0, _HALF)], sem_out)

    in0.wait()

    @plsc.parallel_loop(0, _CHUNKS, unroll=8)
    def _(j):
        tok0_v[pl.ds(j * _LANES, _LANES)] = src0_v[pl.ds(j * _LANES + _PAD - 1, _LANES)]

    v0 = tok0_v[pl.ds(0, _LANES)]
    tok0_v[pl.ds(0, _LANES)] = jnp.where(lane == 0, jnp.int32(_START), v0)
    cp_tok0 = pltpu.async_copy(tok0_v, tok_out.at[row, pl.ds(0, _HALF)], sem_out)

    @plsc.parallel_loop(0, _CHUNKS, unroll=8)
    def _(j):
        sid1_v[pl.ds(j * _LANES, _LANES)] = one_fill

    sid1_v[pl.ds(0, _LANES)] = jnp.where(lane == 0, jnp.int32(0), jnp.int32(1))
    cp_sid1 = pltpu.async_copy(sid1_v, sid_out.at[row, pl.ds(_HALF, _HALF)], sem_out)

    in1.wait()

    @plsc.parallel_loop(0, _CHUNKS, unroll=8)
    def _(j):
        tok1_v[pl.ds(j * _LANES, _LANES)] = src1_v[pl.ds(j * _LANES + _PAD - 1, _LANES)]

    v1 = tok1_v[pl.ds(0, _LANES)]
    tok1_v[pl.ds(0, _LANES)] = jnp.where(lane == 0, jnp.int32(_SEP), v1)
    tail0 = _HALF - _LANES
    vt = tok1_v[pl.ds(tail0, _LANES)]
    tok1_v[pl.ds(tail0, _LANES)] = jnp.where(lane == _LANES - 1, jnp.int32(_END), vt)
    cp_tok1 = pltpu.async_copy(tok1_v, tok_out.at[row, pl.ds(_HALF, _HALF)], sem_out)

    cp_sid0.wait()
    cp_sid1.wait()
    cp_tok0.wait()
    cp_tok1.wait()


def kernel(seg1, seg2):
    tokens, segment_ids = _pack_sc(seg1, seg2)
    return tokens, segment_ids

# --- scband reference (transcript-rebuilt; emitter-appended) ---
"""Pipeline reference for scband-multi-segment-packer-47699906789698 (READ-ONLY COPY).

The authoritative reference and input builder live on the scoring server;
editing this copy changes nothing except your own understanding.
"""

import jax, jax.numpy as jnp
import numpy as np

SEQUENCE_LENGTH = 4096
START_VALUE = 101
END_VALUE = 102
SEP_VALUE = 102  # sep_value=None -> end_value is used
PAD_VALUE = 0


def setup_inputs(seed: int = 0) -> dict:
    key = jax.random.key(seed)
    k1, k2 = jax.random.split(key)
    seg1 = jax.random.randint(k1, (16, 2048), 0, 30000, dtype=jnp.int32)
    seg2 = jax.random.randint(k2, (16, 2048), 0, 30000, dtype=jnp.int32)
    return {"seg1": seg1, "seg2": seg2}


def _pack(seg1, seg2):
    batch = seg1.shape[0]
    S = SEQUENCE_LENGTH
    # Dense inputs -> ragged with full row lengths (tf.RaggedTensor.from_tensor)
    l1 = jnp.full((batch,), seg1.shape[1], dtype=jnp.int32)
    l2 = jnp.full((batch,), seg2.shape[1], dtype=jnp.int32)
    # num special tokens = len(start) + (num_segments-1)*len(sep) + len(end) = 3
    budget = S - 3
    # RoundRobinTrimmer for 2 segments (closed form):
    # alternate one token each until budget exhausted; spill over to the other
    # segment if one runs out early.
    k1 = jnp.minimum(l1, jnp.maximum((budget + 1) // 2, budget - l2))
    k2 = jnp.minimum(l2, jnp.maximum(budget // 2, budget - l1))
    k1 = jnp.maximum(k1, 0)
    k2 = jnp.maximum(k2, 0)
    k1b = k1[:, None]
    k2b = k2[:, None]
    pos = jnp.arange(S, dtype=jnp.int32)[None, :]  # [1, S]
    # layout per row: [start] seg1[:k1] [sep] seg2[:k2] [end] [pad ...]
    seg1_end = 1 + k1b          # position of sep token
    sep_end = seg1_end + 1      # start of segment 2 tokens
    seg2_end = sep_end + k2b    # position of end token
    # gather candidate values for each position (clipped, masked by where)
    idx1 = jnp.clip(pos - 1, 0, seg1.shape[1] - 1)
    v1 = jnp.take_along_axis(seg1, jnp.broadcast_to(idx1, (batch, S)), axis=1)
    idx2 = jnp.clip(pos - sep_end, 0, seg2.shape[1] - 1)
    v2 = jnp.take_along_axis(seg2, idx2, axis=1)
    tokens = jnp.full((batch, S), PAD_VALUE, dtype=seg1.dtype)
    tokens = jnp.where((pos >= 1) & (pos < seg1_end), v1, tokens)
    tokens = jnp.where(pos == seg1_end, jnp.array(SEP_VALUE, seg1.dtype), tokens)
    tokens = jnp.where((pos >= sep_end) & (pos < seg2_end), v2, tokens)
    tokens = jnp.where(pos == seg2_end, jnp.array(END_VALUE, seg1.dtype), tokens)
    tokens = jnp.where(pos == 0, jnp.array(START_VALUE, seg1.dtype), tokens)
    # segment ids: start token and segment-1 tokens (incl. its trailing sep) -> 0;
    # segment-2 tokens (incl. trailing end token) -> 1; padding -> 0
    segment_ids = jnp.where((pos >= sep_end) & (pos <= seg2_end), 1, 0).astype(jnp.int32)
    segment_ids = jnp.broadcast_to(segment_ids, (batch, S))
    return tokens, segment_ids


def reference(seg1, seg2):
    return _pack(seg1, seg2)

if __name__ == "__main__":
    import jax
    _d = setup_inputs()
    print(jax.jit(kernel)(*tuple(_d.values())))

</pallas_src>

<mosaic_0001>
#map = affine_map<(d0, d1) -> (0, 0)>
module attributes {stable_mosaic.version = 14 : i64} {
  func.func @_pack_sc(%arg0: i32, %arg1: i32, %arg2: memref<16x2048xi32, #tpu.memory_space<hbm>>, %arg3: memref<16x2048xi32, #tpu.memory_space<hbm>>, %arg4: memref<16x4096xi32, #tpu.memory_space<hbm>>, %arg5: memref<16x4096xi32, #tpu.memory_space<hbm>>, %arg6: memref<2176xi32, #tpu.memory_space<vmem>>, %arg7: memref<2176xi32, #tpu.memory_space<vmem>>, %arg8: memref<2048xi32, #tpu.memory_space<vmem>>, %arg9: memref<2048xi32, #tpu.memory_space<vmem>>, %arg10: memref<2048xi32, #tpu.memory_space<vmem>>, %arg11: memref<2048xi32, #tpu.memory_space<vmem>>, %arg12: memref<!tpu.dma_semaphore, #tpu.memory_space<semaphore_mem>>, %arg13: memref<!tpu.dma_semaphore, #tpu.memory_space<semaphore_mem>>) attributes {dimension_semantics = [#tpu.dimension_semantics<core_parallel>, #tpu.dimension_semantics<subcore_parallel>], iteration_bounds = array<i64: 1, 16>, scalar_prefetch = 0 : i64, scratch_operands = 8 : i64, tpu.core_type = #tpu.core_type<sc_vector_subcore>, window_params = [{transform_indices = #map}, {transform_indices = #map}, {transform_indices = #map}, {transform_indices = #map}]} {
    %iota3A = tpu.iota {dimensions = array<i32: 0>} : vector<16xi32>
    %dma_start3A = arith.constant 128 : i32
    %dma_start3A_0 = tpu.memref_slice %arg6[%dma_start3A] : memref<2176xi32, #tpu.memory_space<vmem>> -> memref<2048xi32, #tpu.memory_space<vmem>>
    %dma_start3A_1 = arith.constant 0 : i32
    %dma_start3A_2 = tpu.memref_slice %arg2[%arg1, %dma_start3A_1] : memref<16x2048xi32, #tpu.memory_space<hbm>> -> memref<1x2048xi32, #tpu.memory_space<hbm>>
    %dma_start3A_3 = tpu.memref_squeeze %dma_start3A_2 : memref<1x2048xi32, #tpu.memory_space<hbm>> -> memref<2048xi32, #tpu.memory_space<hbm>>
    %dma_start3A_4 = arith.constant 128 : i32
    %dma_start3A_5 = tpu.memref_slice %arg6[%dma_start3A_4] : memref<2176xi32, #tpu.memory_space<vmem>> -> memref<2048xi32, #tpu.memory_space<vmem>>
    %dma_start3A_6 = arith.constant 0 : i32
    %dma_start3A_7 = tpu.memref_slice %arg2[%arg1, %dma_start3A_6] : memref<16x2048xi32, #tpu.memory_space<hbm>> -> memref<1x2048xi32, #tpu.memory_space<hbm>>
    %dma_start3A_8 = tpu.memref_squeeze %dma_start3A_7 : memref<1x2048xi32, #tpu.memory_space<hbm>> -> memref<2048xi32, #tpu.memory_space<hbm>>
    tpu.enqueue_dma source(%dma_start3A_8 : memref<2048xi32, #tpu.memory_space<hbm>>) target(%dma_start3A_5 : memref<2048xi32, #tpu.memory_space<vmem>>) target_semaphore(%arg12 : memref<!tpu.dma_semaphore, #tpu.memory_space<semaphore_mem>>)
    %dma_start3A_9 = arith.constant 128 : i32
    %dma_start3A_10 = tpu.memref_slice %arg7[%dma_start3A_9] : memref<2176xi32, #tpu.memory_space<vmem>> -> memref<2048xi32, #tpu.memory_space<vmem>>
    %dma_start3A_11 = arith.constant 0 : i32
    %dma_start3A_12 = tpu.memref_slice %arg3[%arg1, %dma_start3A_11] : memref<16x2048xi32, #tpu.memory_space<hbm>> -> memref<1x2048xi32, #tpu.memory_space<hbm>>
    %dma_start3A_13 = tpu.memref_squeeze %dma_start3A_12 : memref<1x2048xi32, #tpu.memory_space<hbm>> -> memref<2048xi32, #tpu.memory_space<hbm>>
    %dma_start3A_14 = arith.constant 128 : i32
    %dma_start3A_15 = tpu.memref_slice %arg7[%dma_start3A_14] : memref<2176xi32, #tpu.memory_space<vmem>> -> memref<2048xi32, #tpu.memory_space<vmem>>
    %dma_start3A_16 = arith.constant 0 : i32
    %dma_start3A_17 = tpu.memref_slice %arg3[%arg1, %dma_start3A_16] : memref<16x2048xi32, #tpu.memory_space<hbm>> -> memref<1x2048xi32, #tpu.memory_space<hbm>>
    %dma_start3A_18 = tpu.memref_squeeze %dma_start3A_17 : memref<1x2048xi32, #tpu.memory_space<hbm>> -> memref<2048xi32, #tpu.memory_space<hbm>>
    tpu.enqueue_dma source(%dma_start3A_18 : memref<2048xi32, #tpu.memory_space<hbm>>) target(%dma_start3A_15 : memref<2048xi32, #tpu.memory_space<vmem>>) target_semaphore(%arg12 : memref<!tpu.dma_semaphore, #tpu.memory_space<semaphore_mem>>)
    %broadcast_in_dim3A = arith.constant 0 : i32
    %broadcast_in_dim3A_19 = vector.broadcast %broadcast_in_dim3A : i32 to vector<16xi32>
    %broadcast_in_dim3A_20 = arith.constant 1 : i32
    %broadcast_in_dim3A_21 = vector.broadcast %broadcast_in_dim3A_20 : i32 to vector<16xi32>
    %parallel_loop3A = arith.constant 0 : i32
    %parallel_loop3A_22 = arith.constant 128 : i32
    %parallel_loop3A_23 = arith.constant 1 : i32
    scf.for %parallel_loop3A_135 = %parallel_loop3A to %parallel_loop3A_22 step %parallel_loop3A_23  : i32 {
      %parallel_loop3A_136 = arith.constant 16 : i32
      %parallel_loop3A_137 = arith.muli %parallel_loop3A_135, %parallel_loop3A_136 : i32
      %parallel_loop3A_138 = arith.index_cast %parallel_loop3A_137 : i32 to index
      %parallel_loop3A_139 = tpu.vector_load %arg10[%parallel_loop3A_138] {strides = array<i32>} : memref<2048xi32, #tpu.memory_space<vmem>>, vector<16xi32>,
      tpu.vector_store %arg10[%parallel_loop3A_138], %broadcast_in_dim3A_19 {strides = array<i32>} : memref<2048xi32, #tpu.memory_space<vmem>>, vector<16xi32>,
    } {sc.loop_unroll_factor = 8 : i64, sc.parallel_access}
    %dma_start3A_24 = arith.constant 0 : i32
    %dma_start3A_25 = tpu.memref_slice %arg5[%arg1, %dma_start3A_24] : memref<16x4096xi32, #tpu.memory_space<hbm>> -> memref<1x2048xi32, #tpu.memory_space<hbm>>
    %dma_start3A_26 = tpu.memref_squeeze %dma_start3A_25 : memref<1x2048xi32, #tpu.memory_space<hbm>> -> memref<2048xi32, #tpu.memory_space<hbm>>
    %dma_start3A_27 = arith.constant 0 : i32
    %dma_start3A_28 = tpu.memref_slice %arg5[%arg1, %dma_start3A_27] : memref<16x4096xi32, #tpu.memory_space<hbm>> -> memref<1x2048xi32, #tpu.memory_space<hbm>>
    %dma_start3A_29 = tpu.memref_squeeze %dma_start3A_28 : memref<1x2048xi32, #tpu.memory_space<hbm>> -> memref<2048xi32, #tpu.memory_space<hbm>>
    tpu.enqueue_dma source(%arg10 : memref<2048xi32, #tpu.memory_space<vmem>>) target(%dma_start3A_29 : memref<2048xi32, #tpu.memory_space<hbm>>) target_semaphore(%arg13 : memref<!tpu.dma_semaphore, #tpu.memory_space<semaphore_mem>>)
    %dma_wait3A = arith.constant 128 : i32
    %dma_wait3A_30 = tpu.memref_slice %arg6[%dma_wait3A] : memref<2176xi32, #tpu.memory_space<vmem>> -> memref<2048xi32, #tpu.memory_space<vmem>>
    %dma_wait3A_31 = arith.constant 0 : i32
    %dma_wait3A_32 = tpu.memref_slice %arg2[%arg1, %dma_wait3A_31] : memref<16x2048xi32, #tpu.memory_space<hbm>> -> memref<1x2048xi32, #tpu.memory_space<hbm>>
    %dma_wait3A_33 = tpu.memref_squeeze %dma_wait3A_32 : memref<1x2048xi32, #tpu.memory_space<hbm>> -> memref<2048xi32, #tpu.memory_space<hbm>>
    %dma_wait3A_34 = arith.constant 128 : i32
    %dma_wait3A_35 = tpu.memref_slice %arg6[%dma_wait3A_34] : memref<2176xi32, #tpu.memory_space<vmem>> -> memref<2048xi32, #tpu.memory_space<vmem>>
    %dma_wait3A_36 = arith.constant 0 : i32
    %dma_wait3A_37 = tpu.memref_slice %arg2[%arg1, %dma_wait3A_36] : memref<16x2048xi32, #tpu.memory_space<hbm>> -> memref<1x2048xi32, #tpu.memory_space<hbm>>
    %dma_wait3A_38 = tpu.memref_squeeze %dma_wait3A_37 : memref<1x2048xi32, #tpu.memory_space<hbm>> -> memref<2048xi32, #tpu.memory_space<hbm>>
    tpu.wait_dma2 semaphore(%arg12 : memref<!tpu.dma_semaphore, #tpu.memory_space<semaphore_mem>>) src(%dma_wait3A_38 : memref<2048xi32, #tpu.memory_space<hbm>>) dst(%dma_wait3A_35 : memref<2048xi32, #tpu.memory_space<vmem>>)
    %parallel_loop3A_39 = arith.constant 0 : i32
    %parallel_loop3A_40 = arith.constant 128 : i32
    %parallel_loop3A_41 = arith.constant 1 : i32
    scf.for %parallel_loop3A_135 = %parallel_loop3A_39 to %parallel_loop3A_40 step %parallel_loop3A_41  : i32 {
      %parallel_loop3A_136 = arith.constant 16 : i32
      %parallel_loop3A_137 = arith.muli %parallel_loop3A_135, %parallel_loop3A_136 : i32
      %parallel_loop3A_138 = arith.constant 128 : i32
      %parallel_loop3A_139 = arith.addi %parallel_loop3A_137, %parallel_loop3A_138 : i32
      %parallel_loop3A_140 = arith.constant 1 : i32
      %parallel_loop3A_141 = arith.subi %parallel_loop3A_139, %parallel_loop3A_140 : i32
      %parallel_loop3A_142 = arith.index_cast %parallel_loop3A_141 : i32 to index
      %parallel_loop3A_143 = tpu.vector_load %arg6[%parallel_loop3A_142] {strides = array<i32>} : memref<2176xi32, #tpu.memory_space<vmem>>, vector<16xi32>,
      %parallel_loop3A_144 = arith.constant 16 : i32
      %parallel_loop3A_145 = arith.muli %parallel_loop3A_135, %parallel_loop3A_144 : i32
      %parallel_loop3A_146 = arith.index_cast %parallel_loop3A_145 : i32 to index
      %parallel_loop3A_147 = tpu.vector_load %arg8[%parallel_loop3A_146] {strides = array<i32>} : memref<2048xi32, #tpu.memory_space<vmem>>, vector<16xi32>,
      tpu.vector_store %arg8[%parallel_loop3A_146], %parallel_loop3A_143 {strides = array<i32>} : memref<2048xi32, #tpu.memory_space<vmem>>, vector<16xi32>,
    } {sc.loop_unroll_factor = 8 : i64, sc.parallel_access}
    %get3A = arith.constant 0 : index
    %get3A_42 = tpu.vector_load %arg8[%get3A] {strides = array<i32>} : memref<2048xi32, #tpu.memory_space<vmem>>, vector<16xi32>,
    %eq3A = arith.constant 0 : i32
    %eq3A_43 = vector.broadcast %eq3A : i32 to vector<16xi32>
    %eq3A_44 = arith.cmpi eq, %iota3A, %eq3A_43 : vector<16xi32>
    %jit3A = arith.constant 101 : i32
    %broadcast_in_dim3A_45 = vector.broadcast %jit3A : i32 to vector<16xi32>
    %select_n3A = arith.select %eq3A_44, %broadcast_in_dim3A_45, %get3A_42 : vector<16xi1>, vector<16xi32>
    %swap3A = arith.constant 0 : index
    %swap3A_46 = tpu.vector_load %arg8[%swap3A] {strides = array<i32>} : memref<2048xi32, #tpu.memory_space<vmem>>, vector<16xi32>,
    tpu.vector_store %arg8[%swap3A], %select_n3A {strides = array<i32>} : memref<2048xi32, #tpu.memory_space<vmem>>, vector<16xi32>,
    %dma_start3A_47 = arith.constant 0 : i32
    %dma_start3A_48 = tpu.memref_slice %arg4[%arg1, %dma_start3A_47] : memref<16x4096xi32, #tpu.memory_space<hbm>> -> memref<1x2048xi32, #tpu.memory_space<hbm>>
    %dma_start3A_49 = tpu.memref_squeeze %dma_start3A_48 : memref<1x2048xi32, #tpu.memory_space<hbm>> -> memref<2048xi32, #tpu.memory_space<hbm>>
    %dma_start3A_50 = arith.constant 0 : i32
    %dma_start3A_51 = tpu.memref_slice %arg4[%arg1, %dma_start3A_50] : memref<16x4096xi32, #tpu.memory_space<hbm>> -> memref<1x2048xi32, #tpu.memory_space<hbm>>
    %dma_start3A_52 = tpu.memref_squeeze %dma_start3A_51 : memref<1x2048xi32, #tpu.memory_space<hbm>> -> memref<2048xi32, #tpu.memory_space<hbm>>
    tpu.enqueue_dma source(%arg8 : memref<2048xi32, #tpu.memory_space<vmem>>) target(%dma_start3A_52 : memref<2048xi32, #tpu.memory_space<hbm>>) target_semaphore(%arg13 : memref<!tpu.dma_semaphore, #tpu.memory_space<semaphore_mem>>)
    %parallel_loop3A_53 = arith.constant 0 : i32
    %parallel_loop3A_54 = arith.constant 128 : i32
    %parallel_loop3A_55 = arith.constant 1 : i32
    scf.for %parallel_loop3A_135 = %parallel_loop3A_53 to %parallel_loop3A_54 step %parallel_loop3A_55  : i32 {
      %parallel_loop3A_136 = arith.constant 16 : i32
      %parallel_loop3A_137 = arith.muli %parallel_loop3A_135, %parallel_loop3A_136 : i32
      %parallel_loop3A_138 = arith.index_cast %parallel_loop3A_137 : i32 to index
      %parallel_loop3A_139 = tpu.vector_load %arg11[%parallel_loop3A_138] {strides = array<i32>} : memref<2048xi32, #tpu.memory_space<vmem>>, vector<16xi32>,
      tpu.vector_store %arg11[%parallel_loop3A_138], %broadcast_in_dim3A_21 {strides = array<i32>} : memref<2048xi32, #tpu.memory_space<vmem>>, vector<16xi32>,
    } {sc.loop_unroll_factor = 8 : i64, sc.parallel_access}
    %eq3A_56 = arith.constant 0 : i32
    %eq3A_57 = vector.broadcast %eq3A_56 : i32 to vector<16xi32>
    %eq3A_58 = arith.cmpi eq, %iota3A, %eq3A_57 : vector<16xi32>
    %jit3A_59 = arith.constant 0 : i32
    %jit3A_60 = arith.constant 1 : i32
    %broadcast_in_dim3A_61 = vector.broadcast %jit3A_59 : i32 to vector<16xi32>
    %broadcast_in_dim3A_62 = vector.broadcast %jit3A_60 : i32 to vector<16xi32>
    %select_n3A_63 = arith.select %eq3A_58, %broadcast_in_dim3A_61, %broadcast_in_dim3A_62 : vector<16xi1>, vector<16xi32>
    %swap3A_64 = arith.constant 0 : index
    %swap3A_65 = tpu.vector_load %arg11[%swap3A_64] {strides = array<i32>} : memref<2048xi32, #tpu.memory_space<vmem>>, vector<16xi32>,
    tpu.vector_store %arg11[%swap3A_64], %select_n3A_63 {strides = array<i32>} : memref<2048xi32, #tpu.memory_space<vmem>>, vector<16xi32>,
    %dma_start3A_66 = arith.constant 2048 : i32
    %dma_start3A_67 = tpu.memref_slice %arg5[%arg1, %dma_start3A_66] : memref<16x4096xi32, #tpu.memory_space<hbm>> -> memref<1x2048xi32, #tpu.memory_space<hbm>>
    %dma_start3A_68 = tpu.memref_squeeze %dma_start3A_67 : memref<1x2048xi32, #tpu.memory_space<hbm>> -> memref<2048xi32, #tpu.memory_space<hbm>>
    %dma_start3A_69 = arith.constant 2048 : i32
    %dma_start3A_70 = tpu.memref_slice %arg5[%arg1, %dma_start3A_69] : memref<16x4096xi32, #tpu.memory_space<hbm>> -> memref<1x2048xi32, #tpu.memory_space<hbm>>
    %dma_start3A_71 = tpu.memref_squeeze %dma_start3A_70 : memref<1x2048xi32, #tpu.memory_space<hbm>> -> memref<2048xi32, #tpu.memory_space<hbm>>
    tpu.enqueue_dma source(%arg11 : memref<2048xi32, #tpu.memory_space<vmem>>) target(%dma_start3A_71 : memref<2048xi32, #tpu.memory_space<hbm>>) target_semaphore(%arg13 : memref<!tpu.dma_semaphore, #tpu.memory_space<semaphore_mem>>)
    %dma_wait3A_72 = arith.constant 128 : i32
    %dma_wait3A_73 = tpu.memref_slice %arg7[%dma_wait3A_72] : memref<2176xi32, #tpu.memory_space<vmem>> -> memref<2048xi32, #tpu.memory_space<vmem>>
    %dma_wait3A_74 = arith.constant 0 : i32
    %dma_wait3A_75 = tpu.memref_slice %arg3[%arg1, %dma_wait3A_74] : memref<16x2048xi32, #tpu.memory_space<hbm>> -> memref<1x2048xi32, #tpu.memory_space<hbm>>
    %dma_wait3A_76 = tpu.memref_squeeze %dma_wait3A_75 : memref<1x2048xi32, #tpu.memory_space<hbm>> -> memref<2048xi32, #tpu.memory_space<hbm>>
    %dma_wait3A_77 = arith.constant 128 : i32
    %dma_wait3A_78 = tpu.memref_slice %arg7[%dma_wait3A_77] : memref<2176xi32, #tpu.memory_space<vmem>> -> memref<2048xi32, #tpu.memory_space<vmem>>
    %dma_wait3A_79 = arith.constant 0 : i32
    %dma_wait3A_80 = tpu.memref_slice %arg3[%arg1, %dma_wait3A_79] : memref<16x2048xi32, #tpu.memory_space<hbm>> -> memref<1x2048xi32, #tpu.memory_space<hbm>>
    %dma_wait3A_81 = tpu.memref_squeeze %dma_wait3A_80 : memref<1x2048xi32, #tpu.memory_space<hbm>> -> memref<2048xi32, #tpu.memory_space<hbm>>
    tpu.wait_dma2 semaphore(%arg12 : memref<!tpu.dma_semaphore, #tpu.memory_space<semaphore_mem>>) src(%dma_wait3A_81 : memref<2048xi32, #tpu.memory_space<hbm>>) dst(%dma_wait3A_78 : memref<2048xi32, #tpu.memory_space<vmem>>)
    %parallel_loop3A_82 = arith.constant 0 : i32
    %parallel_loop3A_83 = arith.constant 128 : i32
    %parallel_loop3A_84 = arith.constant 1 : i32
    scf.for %parallel_loop3A_135 = %parallel_loop3A_82 to %parallel_loop3A_83 step %parallel_loop3A_84  : i32 {
      %parallel_loop3A_136 = arith.constant 16 : i32
      %parallel_loop3A_137 = arith.muli %parallel_loop3A_135, %parallel_loop3A_136 : i32
      %parallel_loop3A_138 = arith.constant 128 : i32
      %parallel_loop3A_139 = arith.addi %parallel_loop3A_137, %parallel_loop3A_138 : i32
      %parallel_loop3A_140 = arith.constant 1 : i32
      %parallel_loop3A_141 = arith.subi %parallel_loop3A_139, %parallel_loop3A_140 : i32
      %parallel_loop3A_142 = arith.index_cast %parallel_loop3A_141 : i32 to index
      %parallel_loop3A_143 = tpu.vector_load %arg7[%parallel_loop3A_142] {strides = array<i32>} : memref<2176xi32, #tpu.memory_space<vmem>>, vector<16xi32>,
      %parallel_loop3A_144 = arith.constant 16 : i32
      %parallel_loop3A_145 = arith.muli %parallel_loop3A_135, %parallel_loop3A_144 : i32
      %parallel_loop3A_146 = arith.index_cast %parallel_loop3A_145 : i32 to index
      %parallel_loop3A_147 = tpu.vector_load %arg9[%parallel_loop3A_146] {strides = array<i32>} : memref<2048xi32, #tpu.memory_space<vmem>>, vector<16xi32>,
      tpu.vector_store %arg9[%parallel_loop3A_146], %parallel_loop3A_143 {strides = array<i32>} : memref<2048xi32, #tpu.memory_space<vmem>>, vector<16xi32>,
    } {sc.loop_unroll_factor = 8 : i64, sc.parallel_access}
    %get3A_85 = arith.constant 0 : index
    %get3A_86 = tpu.vector_load %arg9[%get3A_85] {strides = array<i32>} : memref<2048xi32, #tpu.memory_space<vmem>>, vector<16xi32>,
    %eq3A_87 = arith.constant 0 : i32
    %eq3A_88 = vector.broadcast %eq3A_87 : i32 to vector<16xi32>
    %eq3A_89 = arith.cmpi eq, %iota3A, %eq3A_88 : vector<16xi32>
    %jit3A_90 = arith.constant 102 : i32
    %broadcast_in_dim3A_91 = vector.broadcast %jit3A_90 : i32 to vector<16xi32>
    %select_n3A_92 = arith.select %eq3A_89, %broadcast_in_dim3A_91, %get3A_86 : vector<16xi1>, vector<16xi32>
    %swap3A_93 = arith.constant 0 : index
    %swap3A_94 = tpu.vector_load %arg9[%swap3A_93] {strides = array<i32>} : memref<2048xi32, #tpu.memory_space<vmem>>, vector<16xi32>,
    tpu.vector_store %arg9[%swap3A_93], %select_n3A_92 {strides = array<i32>} : memref<2048xi32, #tpu.memory_space<vmem>>, vector<16xi32>,
    %get3A_95 = arith.constant 2032 : index
    %get3A_96 = tpu.vector_load %arg9[%get3A_95] {strides = array<i32>} : memref<2048xi32, #tpu.memory_space<vmem>>, vector<16xi32>,
    %eq3A_97 = arith.constant 15 : i32
    %eq3A_98 = vector.broadcast %eq3A_97 : i32 to vector<16xi32>
    %eq3A_99 = arith.cmpi eq, %iota3A, %eq3A_98 : vector<16xi32>
    %jit3A_100 = arith.constant 102 : i32
    %broadcast_in_dim3A_101 = vector.broadcast %jit3A_100 : i32 to vector<16xi32>
    %select_n3A_102 = arith.select %eq3A_99, %broadcast_in_dim3A_101, %get3A_96 : vector<16xi1>, vector<16xi32>
    %swap3A_103 = arith.constant 2032 : index
    %swap3A_104 = tpu.vector_load %arg9[%swap3A_103] {strides = array<i32>} : memref<2048xi32, #tpu.memory_space<vmem>>, vector<16xi32>,
    tpu.vector_store %arg9[%swap3A_103], %select_n3A_102 {strides = array<i32>} : memref<2048xi32, #tpu.memory_space<vmem>>, vector<16xi32>,
    %dma_start3A_105 = arith.constant 2048 : i32
    %dma_start3A_106 = tpu.memref_slice %arg4[%arg1, %dma_start3A_105] : memref<16x4096xi32, #tpu.memory_space<hbm>> -> memref<1x2048xi32, #tpu.memory_space<hbm>>
    %dma_start3A_107 = tpu.memref_squeeze %dma_start3A_106 : memref<1x2048xi32, #tpu.memory_space<hbm>> -> memref<2048xi32, #tpu.memory_space<hbm>>
    %dma_start3A_108 = arith.constant 2048 : i32
    %dma_start3A_109 = tpu.memref_slice %arg4[%arg1, %dma_start3A_108] : memref<16x4096xi32, #tpu.memory_space<hbm>> -> memref<1x2048xi32, #tpu.memory_space<hbm>>
    %dma_start3A_110 = tpu.memref_squeeze %dma_start3A_109 : memref<1x2048xi32, #tpu.memory_space<hbm>> -> memref<2048xi32, #tpu.memory_space<hbm>>
    tpu.enqueue_dma source(%arg9 : memref<2048xi32, #tpu.memory_space<vmem>>) target(%dma_start3A_110 : memref<2048xi32, #tpu.memory_space<hbm>>) target_semaphore(%arg13 : memref<!tpu.dma_semaphore, #tpu.memory_space<semaphore_mem>>)
    %dma_wait3A_111 = arith.constant 0 : i32
    %dma_wait3A_112 = tpu.memref_slice %arg5[%arg1, %dma_wait3A_111] : memref<16x4096xi32, #tpu.memory_space<hbm>> -> memref<1x2048xi32, #tpu.memory_space<hbm>>
    %dma_wait3A_113 = tpu.memref_squeeze %dma_wait3A_112 : memref<1x2048xi32, #tpu.memory_space<hbm>> -> memref<2048xi32, #tpu.memory_space<hbm>>
    %dma_wait3A_114 = arith.constant 0 : i32
    %dma_wait3A_115 = tpu.memref_slice %arg5[%arg1, %dma_wait3A_114] : memref<16x4096xi32, #tpu.memory_space<hbm>> -> memref<1x2048xi32, #tpu.memory_space<hbm>>
    %dma_wait3A_116 = tpu.memref_squeeze %dma_wait3A_115 : memref<1x2048xi32, #tpu.memory_space<hbm>> -> memref<2048xi32, #tpu.memory_space<hbm>>
    tpu.wait_dma2 semaphore(%arg13 : memref<!tpu.dma_semaphore, #tpu.memory_space<semaphore_mem>>) src(%arg10 : memref<2048xi32, #tpu.memory_space<vmem>>) dst(%dma_wait3A_116 : memref<2048xi32, #tpu.memory_space<hbm>>)
    %dma_wait3A_117 = arith.constant 2048 : i32
    %dma_wait3A_118 = tpu.memref_slice %arg5[%arg1, %dma_wait3A_117] : memref<16x4096xi32, #tpu.memory_space<hbm>> -> memref<1x2048xi32, #tpu.memory_space<hbm>>
    %dma_wait3A_119 = tpu.memref_squeeze %dma_wait3A_118 : memref<1x2048xi32, #tpu.memory_space<hbm>> -> memref<2048xi32, #tpu.memory_space<hbm>>
    %dma_wait3A_120 = arith.constant 2048 : i32
    %dma_wait3A_121 = tpu.memref_slice %arg5[%arg1, %dma_wait3A_120] : memref<16x4096xi32, #tpu.memory_space<hbm>> -> memref<1x2048xi32, #tpu.memory_space<hbm>>
    %dma_wait3A_122 = tpu.memref_squeeze %dma_wait3A_121 : memref<1x2048xi32, #tpu.memory_space<hbm>> -> memref<2048xi32, #tpu.memory_space<hbm>>
    tpu.wait_dma2 semaphore(%arg13 : memref<!tpu.dma_semaphore, #tpu.memory_space<semaphore_mem>>) src(%arg11 : memref<2048xi32, #tpu.memory_space<vmem>>) dst(%dma_wait3A_122 : memref<2048xi32, #tpu.memory_space<hbm>>)
    %dma_wait3A_123 = arith.constant 0 : i32
    %dma_wait3A_124 = tpu.memref_slice %arg4[%arg1, %dma_wait3A_123] : memref<16x4096xi32, #tpu.memory_space<hbm>> -> memref<1x2048xi32, #tpu.memory_space<hbm>>
    %dma_wait3A_125 = tpu.memref_squeeze %dma_wait3A_124 : memref<1x2048xi32, #tpu.memory_space<hbm>> -> memref<2048xi32, #tpu.memory_space<hbm>>
    %dma_wait3A_126 = arith.constant 0 : i32
    %dma_wait3A_127 = tpu.memref_slice %arg4[%arg1, %dma_wait3A_126] : memref<16x4096xi32, #tpu.memory_space<hbm>> -> memref<1x2048xi32, #tpu.memory_space<hbm>>
    %dma_wait3A_128 = tpu.memref_squeeze %dma_wait3A_127 : memref<1x2048xi32, #tpu.memory_space<hbm>> -> memref<2048xi32, #tpu.memory_space<hbm>>
    tpu.wait_dma2 semaphore(%arg13 : memref<!tpu.dma_semaphore, #tpu.memory_space<semaphore_mem>>) src(%arg8 : memref<2048xi32, #tpu.memory_space<vmem>>) dst(%dma_wait3A_128 : memref<2048xi32, #tpu.memory_space<hbm>>)
    %dma_wait3A_129 = arith.constant 2048 : i32
    %dma_wait3A_130 = tpu.memref_slice %arg4[%arg1, %dma_wait3A_129] : memref<16x4096xi32, #tpu.memory_space<hbm>> -> memref<1x2048xi32, #tpu.memory_space<hbm>>
    %dma_wait3A_131 = tpu.memref_squeeze %dma_wait3A_130 : memref<1x2048xi32, #tpu.memory_space<hbm>> -> memref<2048xi32, #tpu.memory_space<hbm>>
    %dma_wait3A_132 = arith.constant 2048 : i32
    %dma_wait3A_133 = tpu.memref_slice %arg4[%arg1, %dma_wait3A_132] : memref<16x4096xi32, #tpu.memory_space<hbm>> -> memref<1x2048xi32, #tpu.memory_space<hbm>>
    %dma_wait3A_134 = tpu.memref_squeeze %dma_wait3A_133 : memref<1x2048xi32, #tpu.memory_space<hbm>> -> memref<2048xi32, #tpu.memory_space<hbm>>
    tpu.wait_dma2 semaphore(%arg13 : memref<!tpu.dma_semaphore, #tpu.memory_space<semaphore_mem>>) src(%arg9 : memref<2048xi32, #tpu.memory_space<vmem>>) dst(%dma_wait3A_134 : memref<2048xi32, #tpu.memory_space<hbm>>)
    return
  }
}

</mosaic_0001>

<sc_bundles>
// kernel: kernel.3.cloned.1.call-start
scs
__scs_entry_jumppad:
0x0: {  	(pc) =	sbr.rel $0x88, $3  }
0x1: {  	(tag) =	ssettag $0x0;
	lr =	simm.s32 $0x1  }
0x2: {  	[smem:$0x3F9F] =	sst lr;
	_ =	strace $0xD0000000  }
0x3: {  	_ = 	snop  }
0x4: {  	_ = 	snop  }
0x5: {  	_ = 	snop  }
0x6: {  	_ = 	snop  }
0x7: {  	_ = 	snop  }
__scs_overlays_trampoline_lowered:
0x8: {  	[smem:$0x3FAE] =	sst s0  }
0x9: {  	[smem:$0x3FAF] =	sst s1  }
0xa: {  	[smem:$0x3FB0] =	sst s2  }
0xb: {  	[smem:$0x3FB1] =	sst s3  }
0xc: {  	[smem:$0x3FB2] =	sst s4  }
0xd: {  	[smem:$0x3FB3] =	sst s5  }
0xe: {  	[smem:$0x3FB4] =	sst s6  }
0xf: {  	[smem:$0x3FB5] =	sst s7  }
0x10: {  	[smem:$0x3FB6] =	sst s8  }
0x11: {  	[smem:$0x3FB7] =	sst s9;
	s0 =	simm.s32 @!p0 $0x0  }
0x12: {  	s1 =	sld [smem:$0x3F9D];
	s0 =	simm.s32 @p0 $0x1  }
0x13: {  	[smem:$0x3FB8] =	sst s0;
	s0 =	simm.s32 @!p1 $0x0  }
0x14: {  	s2 =	sld [smem:$0x3F9C];
	s0 =	simm.s32 @p1 $0x1  }
0x15: {  	[smem:$0x3FB9] =	sst s0;
	s0 =	simm.s32 @!p2 $0x0  }
0x16: {  	s3 =	sld [smem:$0x3FDB];
	s0 =	simm.s32 @p2 $0x1  }
0x17: {  	s4 =	simm.s32 $0x1BF5;
	[smem:$0x3FBB] =	sst s0  }
0x18: {  	s0 =	sld [smem:$0x3F9E];
	_ =	swait.ge [sflag:s4], $0x0  }
0x19: {  	s7 =	sld [smem:$0x3F9F]  }
0x1a: {  	s8 =	sadd.s32 $0xFFFFE003, lr  }
0x1b: {  	s9 =	sadd.s32 $0xFFFFFEF7, lr;
	s5 =	simm.s32 $0xFFFFFFFF;
	p2 =	slt.u32 s8, $0xFFFFF086  }
0x1c: {  	p1 =	slt.u32 s9, $0xF7A;
	s5 =	simm.s32 @!p2 $0x0  }
0x1d: {  	s5 =	simm.s32 @p1 $0x1;
	p0 =	seq.s32 s7, s2  }
0x1e: {  	s7 =	smul.u32 @!p0 $0xF7A, s2;
	p2 =	seq.s32 @!p0 s5, $0x0  }
0x1f: {  	s9 =	smul.u32 $0xF7A, s1;
	s8 =	simm.s32 @!p0 $0x1BF5;
	p2 =	por !p2, p0  }
0x20: {  	[sflag:s8] =	ssyncset.s32 @!p0 $0xFFFFF086;
	s6 =	sadd.s32 @!p0 s3, s7;
	s7 =	simm.s32 @!p0 $0x108  }
0x21: {  	s3 =	sadd.s32 s3, s9;
	s6 =	sadd.s32 @!p0 $0x88, s6;
	s7 =	simm.s32 @p2 $0x1082  }
0x22: {  	[simem:s7], [sflag:s8] =	dma.local @!p0 [hbm:s6], $0xF7A  }
0x23: {  	s9 =	sor.u32 $0xD0000000, s2;
	s6 =	simm.s32 $0x108;
	_ =	swait.ge @!p0 [sflag:s8], $0x0  }
0x24: {  	s3 =	sadd.s32 $0x88, s3;
	s6 =	simm.s32 @!p1 $0x1082;
	[sflag:s4] =	ssyncset.s32 $0xFFFFF086  }
0x25: {  	[simem:s6], [sflag:s4] =	dma.local [hbm:s3], $0xF7A  }
0x26: {  	[smem:$0x3F9F] =	sst s1;
	(tag) =	ssettag s2;
	_ =	strace s9  }
0x27: {  	s1 =	sld [smem:$0x3FAF]  }
0x28: {  	s2 =	sld [smem:$0x3FB0]  }
0x29: {  	s4 =	sld [smem:$0x3FB2]  }
0x2a: {  	p0 =	seq.s32 s5, $0x0;
	s5 =	sld [smem:$0x3FB3]  }
0x2b: {  	s6 =	sld [smem:$0x3FB4]  }
0x2c: {  	s7 =	sld [smem:$0x3FB5]  }
0x2d: {  	s3 =	simm.s32 $0x108;
	s8 =	sld [smem:$0x3FB6]  }
0x2e: {  	s3 =	simm.s32 @!p0 $0x1082;
	s9 =	sld [smem:$0x3FB7]  }
0x2f: {  	lr =	sadd.s32 s0, s3;
	s0 =	sld [smem:$0x3FAE]  }
0x30: {  	s3 =	sld [smem:$0x3FB1]  }
0x31: {  	[smem:$0x3FBA] =	sst s10  }
0x32: {  	s10 =	sld [smem:$0x3FB8];
	_ =	sdelay $0x3  }
0x33: {  	p0 =	seq.s32 s10, $0x1;
	s10 =	sld [smem:$0x3FBA];
	_ =	sdelay $0x3  }
0x34: {  	[smem:$0x3FBA] =	sst s10  }
0x35: {  	s10 =	sld [smem:$0x3FB9];
	_ =	sdelay $0x3  }
0x36: {  	p1 =	seq.s32 s10, $0x1;
	s10 =	sld [smem:$0x3FBA];
	_ =	sdelay $0x3  }
0x37: {  	[smem:$0x3FBA] =	sst s10  }
0x38: {  	s10 =	sld [smem:$0x3FBB]  }
0x39: {  	_ = 	snop;
	(pc) =	sbr.ind lr, $3  }
0x3a: {  	_ = 	snop  }
0x3b: {  	_ = 	snop  }
0x3c: {  	p2 =	seq.s32 s10, $0x1;
	s10 =	sld [smem:$0x3FBA]  }
0x3d: {  	_ =	shalt  }
0x3e: {  	_ =	shalt  }
0x3f: {  	_ =	shalt  }
0x40: {  	_ =	shalt  }
0x41: {  	_ =	shalt  }
0x42: {  	_ =	shalt  }
0x43: {  	_ =	shalt  }
0x44: {  	_ =	shalt  }
0x45: {  	_ =	shalt  }
0x46: {  	_ =	shalt  }
0x47: {  	_ =	shalt  }
0x48: {  	_ =	shalt  }
0x49: {  	_ =	shalt  }
0x4a: {  	_ =	shalt  }
0x4b: {  	_ =	shalt  }
0x4c: {  	_ =	shalt  }
0x4d: {  	_ =	shalt  }
0x4e: {  	_ =	shalt  }
0x4f: {  	_ =	shalt  }
0x50: {  	_ =	shalt  }
0x51: {  	_ =	shalt  }
0x52: {  	_ =	shalt  }
0x53: {  	_ =	shalt  }
0x54: {  	_ =	shalt  }
0x55: {  	_ =	shalt  }
0x56: {  	_ =	shalt  }
0x57: {  	_ =	shalt  }
0x58: {  	_ =	shalt  }
0x59: {  	_ =	shalt  }
0x5a: {  	_ =	shalt  }
0x5b: {  	_ =	shalt  }
0x5c: {  	_ =	shalt  }
0x5d: {  	_ =	shalt  }
0x5e: {  	_ =	shalt  }
0x5f: {  	_ =	shalt  }
0x60: {  	_ =	shalt  }
0x61: {  	_ =	shalt  }
0x62: {  	_ =	shalt  }
0x63: {  	_ =	shalt  }
0x64: {  	_ =	shalt  }
0x65: {  	_ =	shalt  }
0x66: {  	_ =	shalt  }
0x67: {  	_ =	shalt  }
0x68: {  	_ =	shalt  }
0x69: {  	_ =	shalt  }
0x6a: {  	_ =	shalt  }
0x6b: {  	_ =	shalt  }
0x6c: {  	_ =	shalt  }
0x6d: {  	_ =	shalt  }
0x6e: {  	_ =	shalt  }
0x6f: {  	_ =	shalt  }
0x70: {  	_ =	shalt  }
0x71: {  	_ =	shalt  }
0x72: {  	_ =	shalt  }
0x73: {  	_ =	shalt  }
0x74: {  	_ =	shalt  }
0x75: {  	_ =	shalt  }
0x76: {  	_ =	shalt  }
0x77: {  	_ =	shalt  }
0x78: {  	_ =	shalt  }
0x79: {  	_ =	shalt  }
0x7a: {  	_ =	shalt  }
0x7b: {  	_ =	shalt  }
0x7c: {  	_ =	shalt  }
0x7d: {  	_ =	shalt  }
0x7e: {  	_ =	shalt  }
0x7f: {  	_ =	shalt  }
0x80: {  	_ =	shalt  }
0x81: {  	_ =	shalt  }
0x82: {  	_ =	shalt  }
0x83: {  	_ =	shalt  }
0x84: {  	_ =	shalt  }
0x85: {  	_ =	shalt  }
0x86: {  	_ =	shalt  }
0x87: {  	_ =	shalt  }
.Lfunc_end0:
.L_simem_size_0:
called_computation_lowered:
.L_overlay_start_0:
0x88: {  	s0 =	sld [smem:$0x3FD9]  }
0x89: {  	s1 =	sld [smem:$0x3FFE];
	_ =	sdelay $0x3  }
0x8a: {  	s0 =	sadd.s32 s1, s0  }
0x8b: {  	[smem:$0x3FC6] =	sst s0  }
0x8c: {  	_ = 	snop  }
0x8d: {  	s0 =	sld [smem:$0x3FD0];
	_ =	sdelay $0x1  }
0x8e: {  	s14 =	sld [smem:$0x3FC9]  }
0x8f: {  	s3 =	simm.s32 $0xA;
	s4 =	simm.s32 $0x10;
	s2 =	sld [smem:$0x3FC8]  }
0x90: {  	[smem:s4], [sflag:s3] =	dma.local [hbm:s0], $0x1  }
0x91: {  	_ =	swait.eq [sflag:s3], $0x1  }
0x92: {  	[sflag:s3] =	ssyncset.done $0x0  }
0x93: {  	s15 =	sld [smem:$0x10];
	[sflag:s3] =	ssyncadd.s32 $0xFFFFFFFF  }
0x94: {  	s16 =	sld [smem:$0x11];
	(tm) =	ssettm $0x1  }
0x95: {  	s17 =	sld [smem:$0x3FFB];
	_ =	sdelay $0x3  }
0x96: {  	_ =	strace s17  }
0x97: {  	s4 =	sld [smem:$0x3FFC];
	_ =	sdelay $0x3  }
0x98: {  	_ =	strace s4  }
0x99: {  	s4 =	sld [smem:$0x3FFD];
	_ =	sdelay $0x3  }
0x9a: {  	_ =	strace s4  }
0x9b: {  	_ =	strace $0x8FFFFFFF  }
0x9c: {  	s18 =	sld [smem:$0x3FDB];
	_ =	sdelay $0x1  }
0x9d: {  	s5 =	simm.s32 $_scs_section_size  }
0x9e: {  	s6 =	simm.s32 $_size__tile_overlayer_lowered;
	s7 =	simm.s32 $_tile_overlayer_lowered  }
0x9f: {  	s21 =	simm.s32 $0x1BFF;
	s20 =	sshll.u32 s7, $0x1;
	s4 =	sadd.s32 s5, s18  }
0xa0: {  	s8 =	simm.s32 $0x0;
	s19 =	sshll.u32 s6, $0x1;
	s6 =	sadd.s32 s20, s4  }
0xa1: {  	[timem:s8], [sflag:s21] =	dma.local [hbm:s6], s19  }
0xa2: {  	_ =	swait.ge [sflag:s21], s19  }
0xa3: {  	s5 =	ssub.s32 $0x0, s19;
	[sflag:s21] =	ssyncset.done $0x0  }
0xa4: {  	[sflag:s21] =	ssyncadd.s32 s5;
	_ =	sdelay $0x1  }
0xa5: {  	s22 =	simm.s32 $0x1B8B  }
0xa6: {  	_ =	swait.ge [sflag:s22], $0x1  }
0xa7: {  	[sflag:s22] =	ssyncset.done $0x0  }
0xa8: {  	s23 =	simm.s32 $0x1B8E;
	[sflag:s22] =	ssyncadd.s32 $0xFFFFFFFF  }
0xa9: {  	s24 =	simm.s32 $execute0_lowered;
	[smem:$0x3FD2] =	sst s23  }
0xaa: {  	s5 =	sshll.u32 s24, $0x1;
	_ =	strace $0x80000046;
	[dreg:$0x1] =	wrdreg $0xFFFFFFFF  }
0xab: {  	s25 =	simm.s32 $_size_execute0_lowered;
	s4 =	sadd.s32 s4, s5;
	[dreg:$0x0] =	wrdreg $0x0  }
0xac: {  	s5 =	sshll.u32 s25, $0x1;
	[dreg:$0x2] =	wrdreg s4  }
0xad: {  	[dreg:$0x3] =	wrdreg s5  }
0xae: {  	[dreg:$0x4] =	wrdreg $0xC0  }
0xaf: {  	_ =	task [dreg:s8], $0x5FFFF  }
0xb0: {  	[dreg:$0x1] =	wrdreg $0xFFFFFFFF  }
0xb1: {  	[dreg:$0x0] =	wrdreg $0x60  }
0xb2: {  	[dreg:$0x2] =	wrdreg s14  }
0xb3: {  	[dreg:$0x3] =	wrdreg s2  }
0xb4: {  	[dreg:$0x4] =	wrdreg s15  }
0xb5: {  	[dreg:$0x5] =	wrdreg s16  }
0xb6: {  	[dreg:$0x6] =	wrdreg $0x9  }
0xb7: {  	_ =	task.clear_ibuf [dreg:s8], $0x7FFFF;
	_ =	strace $0x90000046  }
0xb8: {  	s26 =	simm.s32 $0x9;
	_ =	strace $0x80000048  }
0xb9: {  	_ =	swait.ge [sflag:s26], $0x1  }
0xba: {  	[sflag:s26] =	ssyncadd.s32 $0xFFFFFFFF  }
0xbb: {  	_ =	strace $0x90000048  }
0xbc: {  	_ =	sfence  }
0xbd: {  	s28 =	sld [smem:$0x0];
	_ =	sdelay $0x1  }
0xbe: {  	s29 =	srdreg.scid  }
0xbf: {  	s30 =	sshll.u32 s29, $0xD;
	s31 =	sshrl.u32 s29, $0x2  }
0xc0: {  	s1 =	sand.u32 $0x1, s29;
	s2 =	sand.u32 $0x4000, s30;
	s0 =	sadd.s32 s31, s28  }
0xc1: {  	s1 =	sor.u32 s2, s1;
	s0 =	sshll.u32 s0, $0x11  }
0xc2: {  	s0 =	sor.u32 s0, s1  }
0xc3: {  	s0 =	sadd.s32 $0x8F2B, s0  }
0xc4: {  	[sflag:s0] =	ssyncadd.remote.s32 $0x1  }
0xc5: {  	_ =	sfence.sel $0xFFFF  }
0xc6: {  	[dreg:$0x0] =	wrdreg $0xFFFFFFFF;
	(pc) =	sbr.abs _section_cstart, $3  }
0xc7: {  	[dreg:$0x1] =	wrdreg $0xFFFFFFFF  }
0xc8: {  	_ =	task.clear_ibuf [dreg:s8], $0x2FFFF;
	_ =	strace $0x9FFFFFFF  }
0xc9: {  	(tm) =	ssettm $0x7FFFFFFF  }
tec
execute0_lowered:
.L_overlay_start_1:
0x0: {  	(tag) =	ssettag $0x1  }
0x1: {  	s4 =	rddreg [dreg:$0x0]  }
0x2: {  	s5 =	rddreg [dreg:$0x1];
	s1 =	stileid.u32  }
0x3: {  	s2 =	rddreg [dreg:$0x2];
	s6 =	sshrl.u32 s1, $0x3;
	s7 =	sshll.u32 s1, $0x7  }
0x4: {  	s3 =	rddreg [dreg:$0x3];
	s7 =	sand.u32 $0x380, s7;
	s9 =	sshll.u32 s6, $0xE  }
0x5: {  	s0 =	rddreg [dreg:$0x4];
	s8 =	simm.s32 $0x0;
	s26 =	sor.u32 s7, s9  }
0x6: {  	s28 =	simm.s32 $0x400;
	[smem:$0x7FF] =	sst s8;
	s8 =	sshrl.u32 s26, $0x3  }
0x7: {  	s10 =	simm.s32 $0x80;
	_ =	strace $0x80000047;
	s4 =	sadd.s32 s4, s8  }
0x8: {  	[tilespmem:s10], [sflag:$0x1] =	stream.strided.gather [hbm4b:s4+s10], $0x800, s28, s10, $0x38;
	[tilespmem:$0x3100] =	vst v63  }
0x9: {  	s30 =	simm.s32 $0x900;
	s29 =	sadd.s32 s5, s8;
	s5 =	simm.s32 $0x2140  }
0xa: {  	v0 =	vimm.s32 $0x0;
	[tilespmem:s30], [sflag:$0x1] =	stream.strided.gather [hbm4b:s29+s10], $0x800, s28, s10, $0x38;
	[tilespmem:$0x3100] =	vst v63  }
0xb: {  	[tilespmem:s5+$0xFFFFFFC0] =	vst v0  }
0xc: {  	[tilespmem:s5+$0x30] =	vst v0  }
0xd: {  	[tilespmem:s5+$0x20] =	vst v0  }
0xe: {  	s31 =	sshll.u32 s6, $0xF;
	[tilespmem:s5+$0x10] =	vst v0  }
0xf: {  	s4 =	sor.u32 s7, s31;
	[tilespmem:s5+$0x0] =	vst v0  }
0x10: {  	s4 =	sshrl.u32 s4, $0x3;
	[tilespmem:s5+$0xFFFFFFF0] =	vst v0  }
0x11: {  	s7 =	simm.s32 $0x0;
	s6 =	sadd.s32 s3, s4;
	[tilespmem:s5+$0xFFFFFFE0] =	vst v0  }
.LBB2_1:
0x12: {  	s7 =	sadd.s32 $0x8, s7;
	[tilespmem:s5+$0xFFFFFFD0] =	vst v0;
	s5 =	sadd.s32 $0x80, s5  }
0x13: {  	[tilespmem:s5+$0xFFFFFFC0] =	vst v0;
	p0 =	slt.u32 s7, $0x78  }
0x14: {  	[tilespmem:s5+$0x30] =	vst v0  }
.Ltmp0:
0x15: {  	[tilespmem:s5+$0x20] =	vst v0;
	(pc) =	sbr.rel @p0 .LBB2_1-.Ltmp0, $4  }
0x16: {  	[tilespmem:s5+$0x10] =	vst v0  }
0x17: {  	[tilespmem:s5+$0x0] =	vst v0  }
0x18: {  	[tilespmem:s5+$0xFFFFFFF0] =	vst v0  }
0x19: {  	[tilespmem:s5+$0xFFFFFFE0] =	vst v0  }
0x1a: {  	s29 =	simm.s32 $0x80  }
0x1b: {  	[tilespmem:s5+$0xFFFFFFD0] =	vst v0;
	s7 =	simm.s32 $0x400;
	s8 =	simm.s32 $0x2100;
	s30 =	simm.s32 $0x1  }
0x1c: {  	[hbm4b:s6+s29] =	stream.strided.scatter [tilespmem:s8], [sflag:$0x2], $0x800, s7, s29, $0x38;
	[tilespmem:$0x3100] =	vst v63  }
0x1d: {  	_ =	swait.ge [sflag:s30], $0x800  }
0x1e: {  	[sflag:s30] =	ssyncset.done $0x0  }
0x1f: {  	s31 =	simm.s32 $0xEF;
	[sflag:s30] =	ssyncadd.s32 $0xFFFFF800  }
0x20: {  	v3 =	vld [tilespmem:s31+$0x0]  }
0x21: {  	v4 =	vld [tilespmem:s31+$0xFFFFFFA0]  }
0x22: {  	v5 =	vld [tilespmem:s31+$0xFFFFFFB0]  }
0x23: {  	v0 =	vld [tilespmem:s31+$0xFFFFFFC0]  }
0x24: {  	s5 =	simm.s32 $0x1140;
	v1 =	vld [tilespmem:s31+$0xFFFFFFD0]  }
0x25: {  	v2 =	vld [tilespmem:s31+$0xFFFFFFE0];
	[tilespmem:s5+$0x30] =	vst v3  }
0x26: {  	[tilespmem:s5+$0xFFFFFFD0] =	vst v4;
	v3 =	vld [tilespmem:s31+$0xFFFFFFF0]  }
0x27: {  	s6 =	simm.s32 $0x0;
	s7 =	simm.s32 $0x16F;
	v4 =	vld [tilespmem:s31+$0xFFFFFF90];
	[tilespmem:s5+$0xFFFFFFE0] =	vst v5  }
.LBB2_3:
0x28: {  	v5 =	vld [tilespmem:s7+$0x0];
	s6 =	sadd.s32 $0x8, s6;
	[tilespmem:s5+$0xFFFFFFF0] =	vst v0  }
0x29: {  	v6 =	vld [tilespmem:s7+$0xFFFFFFA0];
	p0 =	slt.u32 s6, $0x78;
	[tilespmem:s5+$0x0] =	vst v1  }
0x2a: {  	v7 =	vld [tilespmem:s7+$0xFFFFFFB0];
	[tilespmem:s5+$0x10] =	vst v2  }
.Ltmp1:
0x2b: {  	v0 =	vld [tilespmem:s7+$0xFFFFFFC0];
	[tilespmem:s5+$0x20] =	vst v3;
	(pc) =	sbr.rel @p0 .LBB2_3-.Ltmp1, $4  }
0x2c: {  	v1 =	vld [tilespmem:s7+$0xFFFFFFD0];
	[tilespmem:s5+$0xFFFFFFC0] =	vst v4;
	s5 =	sadd.s32 $0x80, s5  }
0x2d: {  	v2 =	vld [tilespmem:s7+$0xFFFFFFE0];
	[tilespmem:s5+$0x30] =	vst v5  }
0x2e: {  	[tilespmem:s5+$0xFFFFFFD0] =	vst v6;
	v3 =	vld [tilespmem:s7+$0xFFFFFFF0]  }
0x2f: {  	v4 =	vld [tilespmem:s7+$0xFFFFFF90];
	[tilespmem:s5+$0xFFFFFFE0] =	vst v7;
	s7 =	sadd.s32 $0x80, s7  }
0x30: {  	[tilespmem:s5+$0xFFFFFFF0] =	vst v0  }
0x31: {  	[tilespmem:s5+$0x0] =	vst v1  }
0x32: {  	[tilespmem:s5+$0x10] =	vst v2  }
0x33: {  	[tilespmem:s5+$0x20] =	vst v3  }
0x34: {  	[tilespmem:s5+$0xFFFFFFC0] =	vst v4  }
0x35: {  	v0 =	vld [tilespmem:$0x1100];
	_ =	sdelay $0x2  }
0x36: {  	v1 =	vlaneseq.u32  }
0x37: {  	vm0 =	veq.s32 v1, $0x0  }
0x38: {  	s31 =	sadd.s32 s2, s4;
	s6 =	simm.s32 $0x80;
	v0 =	vsel vm0, $0x65, v0  }
0x39: {  	s7 =	simm.s32 $0x400;
	s8 =	simm.s32 $0x1100;
	s5 =	simm.s32 $0x2940;
	[tilespmem:$0x1100] =	vst v0  }
0x3a: {  	v0 =	vimm.s32 $0x1;
	[hbm4b:s31+s6] =	stream.strided.scatter [tilespmem:s8], [sflag:$0x2], $0x800, s7, s6, $0x38;
	[tilespmem:$0x3100] =	vst v63  }
0x3b: {  	[tilespmem:s5+$0xFFFFFFC0] =	vst v0  }
0x3c: {  	[tilespmem:s5+$0x30] =	vst v0  }
0x3d: {  	[tilespmem:s5+$0x20] =	vst v0  }
0x3e: {  	[tilespmem:s5+$0x10] =	vst v0  }
0x3f: {  	[tilespmem:s5+$0x0] =	vst v0  }
0x40: {  	[tilespmem:s5+$0xFFFFFFF0] =	vst v0  }
0x41: {  	s6 =	simm.s32 $0x0;
	[tilespmem:s5+$0xFFFFFFE0] =	vst v0  }
.LBB2_5:
0x42: {  	s6 =	sadd.s32 $0x8, s6;
	[tilespmem:s5+$0xFFFFFFD0] =	vst v0;
	s5 =	sadd.s32 $0x80, s5  }
0x43: {  	[tilespmem:s5+$0xFFFFFFC0] =	vst v0;
	p0 =	slt.u32 s6, $0x78  }
0x44: {  	[tilespmem:s5+$0x30] =	vst v0  }
.Ltmp2:
0x45: {  	[tilespmem:s5+$0x20] =	vst v0;
	(pc) =	sbr.rel @p0 .LBB2_5-.Ltmp2, $4  }
0x46: {  	[tilespmem:s5+$0x10] =	vst v0  }
0x47: {  	[tilespmem:s5+$0x0] =	vst v0  }
0x48: {  	[tilespmem:s5+$0xFFFFFFF0] =	vst v0  }
0x49: {  	[tilespmem:s5+$0xFFFFFFE0] =	vst v0  }
0x4a: {  	v1 =	vimm.s32 $0x1;
	vm0 =	vcmask $0x300  }
0x4b: {  	s4 =	sor.u32 $0x800, s4;
	[tilespmem:s5+$0xFFFFFFD0] =	vst v0;
	s29 =	simm.s32 $0x80;
	s6 =	simm.s32 $0x400;
	v0 =	vsel vm0, $0x0, v1  }
0x4c: {  	s7 =	simm.s32 $0x2900;
	s30 =	simm.s32 $0x1;
	s3 =	sadd.s32 s3, s4;
	[tilespmem:$0x2900] =	vst v0  }
0x4d: {  	[hbm4b:s3+s29] =	stream.strided.scatter [tilespmem:s7], [sflag:$0x2], $0x800, s6, s29, $0x38;
	[tilespmem:$0x3100] =	vst v63  }
0x4e: {  	_ =	swait.ge [sflag:s30], $0x800  }
0x4f: {  	[sflag:s30] =	ssyncset.done $0x0  }
0x50: {  	s31 =	simm.s32 $0x96F;
	[sflag:s30] =	ssyncadd.s32 $0xFFFFF800  }
0x51: {  	v3 =	vld [tilespmem:s31+$0x0]  }
0x52: {  	v4 =	vld [tilespmem:s31+$0xFFFFFFA0]  }
0x53: {  	v5 =	vld [tilespmem:s31+$0xFFFFFFB0]  }
0x54: {  	v0 =	vld [tilespmem:s31+$0xFFFFFFC0]  }
0x55: {  	s3 =	simm.s32 $0x1940;
	v1 =	vld [tilespmem:s31+$0xFFFFFFD0]  }
0x56: {  	v2 =	vld [tilespmem:s31+$0xFFFFFFE0];
	[tilespmem:s3+$0x30] =	vst v3  }
0x57: {  	[tilespmem:s3+$0xFFFFFFD0] =	vst v4;
	v3 =	vld [tilespmem:s31+$0xFFFFFFF0]  }
0x58: {  	s5 =	simm.s32 $0x0;
	s6 =	simm.s32 $0x9EF;
	v4 =	vld [tilespmem:s31+$0xFFFFFF90];
	[tilespmem:s3+$0xFFFFFFE0] =	vst v5  }
.LBB2_7:
0x59: {  	v5 =	vld [tilespmem:s6+$0x0];
	s5 =	sadd.s32 $0x8, s5;
	[tilespmem:s3+$0xFFFFFFF0] =	vst v0  }
0x5a: {  	v6 =	vld [tilespmem:s6+$0xFFFFFFA0];
	p0 =	slt.u32 s5, $0x78;
	[tilespmem:s3+$0x0] =	vst v1  }
0x5b: {  	v7 =	vld [tilespmem:s6+$0xFFFFFFB0];
	[tilespmem:s3+$0x10] =	vst v2  }
.Ltmp3:
0x5c: {  	v0 =	vld [tilespmem:s6+$0xFFFFFFC0];
	[tilespmem:s3+$0x20] =	vst v3;
	(pc) =	sbr.rel @p0 .LBB2_7-.Ltmp3, $4  }
0x5d: {  	v1 =	vld [tilespmem:s6+$0xFFFFFFD0];
	[tilespmem:s3+$0xFFFFFFC0] =	vst v4;
	s3 =	sadd.s32 $0x80, s3  }
0x5e: {  	v2 =	vld [tilespmem:s6+$0xFFFFFFE0];
	[tilespmem:s3+$0x30] =	vst v5  }
0x5f: {  	[tilespmem:s3+$0xFFFFFFD0] =	vst v6;
	v3 =	vld [tilespmem:s6+$0xFFFFFFF0]  }
0x60: {  	v4 =	vld [tilespmem:s6+$0xFFFFFF90];
	[tilespmem:s3+$0xFFFFFFE0] =	vst v7;
	s6 =	sadd.s32 $0x80, s6  }
0x61: {  	[tilespmem:s3+$0xFFFFFFF0] =	vst v0  }
0x62: {  	[tilespmem:s3+$0x0] =	vst v1  }
0x63: {  	[tilespmem:s3+$0x10] =	vst v2  }
0x64: {  	[tilespmem:s3+$0x20] =	vst v3  }
0x65: {  	[tilespmem:s3+$0xFFFFFFC0] =	vst v4  }
0x66: {  	v0 =	vld [tilespmem:$0x1900]  }
0x67: {  	v1 =	vld [tilespmem:$0x20F0];
	_ =	sdelay $0x1  }
0x68: {  	v62 =	vlaneseq.u32  }
0x69: {  	vm0 =	veq.s32 v62, $0x0  }
0x6a: {  	vm15 =	veq.s32 v62, $0xF;
	v0 =	vsel vm0, $0x66, v0  }
0x6b: {  	s2 =	sadd.s32 s2, s4;
	s29 =	simm.s32 $0x80;
	v63 =	vsel vm15, $0x66, v1;
	[tilespmem:$0x1900] =	vst v0  }
0x6c: {  	s30 =	simm.s32 $0x400;
	s5 =	simm.s32 $0x1900;
	s31 =	simm.s32 $0x2;
	[tilespmem:$0x20F0] =	vst v63  }
0x6d: {  	[hbm4b:s2+s29] =	stream.strided.scatter [tilespmem:s5], [sflag:$0x2], $0x800, s30, s29, $0x38;
	[tilespmem:$0x3100] =	vst v63  }
0x6e: {  	_ =	swait.ge [sflag:s31], $0x800  }
0x6f: {  	[sflag:s31] =	ssyncset.done $0x0  }
0x70: {  	[sflag:s31] =	ssyncadd.s32 $0xFFFFF800  }
0x71: {  	_ =	swait.ge [sflag:s31], $0x800  }
0x72: {  	[sflag:s31] =	ssyncset.done $0x0  }
0x73: {  	[sflag:s31] =	ssyncadd.s32 $0xFFFFF800  }
0x74: {  	_ =	swait.ge [sflag:s31], $0x800  }
0x75: {  	[sflag:s31] =	ssyncset.done $0x0  }
0x76: {  	[sflag:s31] =	ssyncadd.s32 $0xFFFFF800  }
0x77: {  	_ =	swait.ge [sflag:s31], $0x800  }
0x78: {  	[sflag:s31] =	ssyncset.done $0x0  }
0x79: {  	[sflag:s31] =	ssyncadd.s32 $0xFFFFF800  }
0x7a: {  	_ =	sfence.sel $0x180000  }
0x7b: {  	[bflag:$0x0] =	sbarrier.arrive $0xFFFF  }
0x7c: {  	p0 =	sne.s32 s1, $0x0;
	_ =	strace $0x90000047  }
0x7d: {  	s0 =	sadd.s32 @!p0 $0x100000, s0;
	[bflag:$0x2] =	sbarrier.arrive $0xFFFF  }
0x7e: {  	[sflag:s0] =	ssyncadd.tile.s32 @!p0 $0x1;
	_ =	shalt  }
.Lfunc_end2:
_tile_overlayer_lowered:
.L_overlay_start_2:
0x7f: {  	(tag) =	ssettag $0x2  }
0x80: {  	s0 =	rddreg [dreg:$0x0];
	s2 =	stileid.u32  }
0x81: {  	s1 =	rddreg [dreg:$0x1];
	p0 =	sne.s32 s2, $0x0  }
0x82: {  	s3 =	rddreg [dreg:$0x2];
	[bflag:$0x3] =	sbarrier.arrive $0xFFFF;
	s2 =	simm.s32 @!p0 $0x1C03  }
0x83: {  	[timem:s3], [sflag:s2] =	dma.local @!p0 [hbm:s0], s1  }
0x84: {  	s0 =	simm.s32 @!p0 $0x3  }
0x85: {  	_ =	swait.ge @!p0 [sflag:s0], s1  }
0x86: {  	s1 =	ssub.s32 @!p0 $0x0, s1;
	[sflag:s0] =	ssyncset.done @!p0 $0x0  }
0x87: {  	[sflag:s0] =	ssyncadd.s32 @!p0 s1  }
0x88: {  	[bflag:$0x3] =	sbarrier.arrive $0xFFFF  }
0x89: {  	_ =	shalt  }

</sc_bundles>
